<compile_context>
chip_gen: v7x
topology: tpu7x:2x2x1
jax: 0.10.2.dev20260603
libtpu: 0.0.44.dev20260713+nightly
codegen_flags: <defaults>
</compile_context>

<pallas_src>
import functools

import jax
import jax.numpy as jnp
from jax import lax
from jax.experimental import pallas as pl
from jax.experimental.pallas import tpu as pltpu
from jax.experimental.pallas import tpu_sc as plsc

NC = 2
NS = 16
NW = NC * NS
LANES = 16
CHUNK = 128


def _sc_aggregate(src_idx, dst_idx, x, n_pad, ep):
  d = x.shape[1]
  rows_per_tile = n_pad // NS
  n_chunks = ep // CHUNK

  mesh = plsc.VectorSubcoreMesh(core_axis_name="c", subcore_axis_name="s")

  @functools.partial(
      pl.kernel,
      out_type=[
          jax.ShapeDtypeStruct((NC * n_pad, d), jnp.float32),
          jax.ShapeDtypeStruct((NW, n_pad), jnp.float32),
      ],
      mesh=mesh,
      compiler_params=pltpu.CompilerParams(needs_layout_passes=False),
      scratch_types=[
          pltpu.VMEM((CHUNK,), jnp.int32),
          pltpu.VMEM((CHUNK,), jnp.int32),
          pltpu.VMEM((CHUNK, d), jnp.float32),
          pltpu.VMEM((n_pad,), jnp.float32),
          pltpu.VMEM_SHARED((n_pad, d), jnp.float32),
          pltpu.SemaphoreType.DMA,
      ],
  )
  def agg(src_hbm, dst_hbm, x_hbm, summed_out, deg_out,
          idx_s, idx_d, rows, deg_v, accum_sh, sem):
    c = lax.axis_index("c")
    s = lax.axis_index("s")
    wid = c * NS + s

    zero16 = jnp.zeros((LANES,), jnp.float32)
    one16 = jnp.ones((LANES,), jnp.float32)

    def fill_row(i, _):
      def fill_seg(j, _):
        rows[i, pl.ds(j * LANES, LANES)] = zero16
        return 0
      lax.fori_loop(0, d // LANES, fill_seg, 0)
      return 0
    lax.fori_loop(0, CHUNK, fill_row, 0)

    def clear_deg(i, _):
      deg_v[pl.ds(i * LANES, LANES)] = zero16
      return 0
    lax.fori_loop(0, n_pad // LANES, clear_deg, 0)

    row0 = s * rows_per_tile
    def clear_blk(i, _):
      pltpu.sync_copy(rows, accum_sh.at[pl.ds(row0 + i * CHUNK, CHUNK)])
      return 0
    lax.fori_loop(0, rows_per_tile // CHUNK, clear_blk, 0)

    plsc.subcore_barrier()

    base = wid * ep

    def chunk_body(j, _):
      off = base + j * CHUNK
      pltpu.sync_copy(src_hbm.at[pl.ds(off, CHUNK)], idx_s)
      pltpu.sync_copy(dst_hbm.at[pl.ds(off, CHUNK)], idx_d)
      gather = pltpu.async_copy(x_hbm.at[idx_s], rows, sem)
      def vec_body(v, _):
        iv = idx_d[pl.ds(v * LANES, LANES)]
        plsc.addupdate_scatter(deg_v, [iv], one16)
        return 0
      lax.fori_loop(0, CHUNK // LANES, vec_body, 0)
      gather.wait()
      pltpu.sync_copy(rows, accum_sh.at[idx_d], add=True)
      return 0

    lax.fori_loop(0, n_chunks, chunk_body, 0)

    plsc.subcore_barrier()

    out_row0 = c * n_pad + row0
    pltpu.sync_copy(accum_sh.at[pl.ds(row0, rows_per_tile)],
                    summed_out.at[pl.ds(out_row0, rows_per_tile)])
    pltpu.sync_copy(deg_v, deg_out.at[wid])

  return agg(src_idx, dst_idx, x)


def _tc_self(x_pad, w_self, n_pad, blk):
  d = x_pad.shape[1]

  def body(x_ref, ws_ref, out_ref):
    out_ref[...] = jnp.dot(x_ref[...], ws_ref[...],
                           preferred_element_type=jnp.float32)

  return pl.pallas_call(
      body,
      grid=(n_pad // blk,),
      in_specs=[
          pl.BlockSpec((blk, d), lambda i: (i, 0)),
          pl.BlockSpec((d, d), lambda i: (0, 0)),
      ],
      out_specs=pl.BlockSpec((blk, d), lambda i: (i, 0)),
      out_shape=jax.ShapeDtypeStruct((n_pad, d), jnp.float32),
  )(x_pad, w_self)


def _tc_combine(y_self, summed, degw, w_neigh, n_pad, blk):
  d = y_self.shape[1]
  nblk = n_pad // blk

  def body(y_ref, s0_ref, s1_ref, deg_ref, wn_ref, out_ref):
    deg = jnp.sum(deg_ref[...], axis=0)[:, None]
    h = (s0_ref[...] + s1_ref[...]) / jnp.maximum(deg, 1.0)
    out_ref[...] = y_ref[...] + jnp.dot(h, wn_ref[...],
                                        preferred_element_type=jnp.float32)

  return pl.pallas_call(
      body,
      grid=(nblk,),
      in_specs=[
          pl.BlockSpec((blk, d), lambda i: (i, 0)),
          pl.BlockSpec((blk, d), lambda i: (i, 0)),
          pl.BlockSpec((blk, d), lambda i, nb=nblk: (i + nb, 0)),
          pl.BlockSpec((NW, blk), lambda i: (0, i)),
          pl.BlockSpec((d, d), lambda i: (0, 0)),
      ],
      out_specs=pl.BlockSpec((blk, d), lambda i: (i, 0)),
      out_shape=jax.ShapeDtypeStruct((n_pad, d), jnp.float32),
  )(y_self, summed, summed, degw, w_neigh)


def kernel(x, edge_index, W_self, W_neigh):
  n, d = x.shape
  e = edge_index.shape[1]

  blk = 1024
  n_pad = ((n + blk - 1) // blk) * blk

  ep_raw = e // NW
  ep = ((ep_raw + CHUNK - 1) // CHUNK) * CHUNK
  pad = ep - ep_raw
  src = jnp.pad(edge_index[0].reshape(NW, ep_raw), ((0, 0), (0, pad))).reshape(-1)
  scrap = (n + jnp.arange(NW, dtype=edge_index.dtype)[:, None]
           ) * jnp.ones((1, pad), dtype=edge_index.dtype)
  dst = jnp.concatenate(
      [edge_index[1].reshape(NW, ep_raw), scrap], axis=1).reshape(-1)

  x_pad = jnp.pad(x, ((0, n_pad - n), (0, 0)))
  y_self = _tc_self(x_pad, W_self, n_pad, blk)

  summed, degw = _sc_aggregate(src, dst, x, n_pad, ep)

  out = _tc_combine(y_self, summed, degw, W_neigh, n_pad, blk)
  return out[:n]

# --- scband reference (transcript-rebuilt; emitter-appended) ---
"""Pipeline reference for scband-sageconv-47974784697088 (READ-ONLY COPY).

The authoritative reference and input builder live on the scoring server;
editing this copy changes nothing except your own understanding.
"""

import jax, jax.numpy as jnp
import numpy as np

N = 10000
E = 320000
D_IN = 128
D_OUT = 128


def setup_inputs(seed: int = 0) -> dict:
    key = jax.random.key(seed)
    k1, k2, k3, k4 = jax.random.split(key, 4)
    x = jax.random.normal(k1, (N, D_IN), dtype=jnp.float32)
    edge_index = jax.random.randint(k2, (2, E), 0, N, dtype=jnp.int32)
    # DGL SAGEConv(aggregator_type='mean', bias=False) has two linear maps:
    # fc_self (applied to node's own features) and fc_neigh (applied to mean-aggregated neighbor features)
    W_self = jax.random.normal(k3, (D_IN, D_OUT), dtype=jnp.float32) * 0.05
    W_neigh = jax.random.normal(k4, (D_IN, D_OUT), dtype=jnp.float32) * 0.05
    return {"x": x, "edge_index": edge_index, "W_self": W_self, "W_neigh": W_neigh}


def reference(x, edge_index, W_self, W_neigh):
    # edge_index[0] = src node ids, edge_index[1] = dst node ids
    src = edge_index[0]
    dst = edge_index[1]
    # message: gather source node features along edges
    msgs = jnp.take(x, src, axis=0)
    # mean aggregation over incoming edges per destination node (scatter-add + degree normalize)
    summed = jax.ops.segment_sum(msgs, dst, num_segments=N)
    deg = jax.ops.segment_sum(jnp.ones((E,), dtype=x.dtype), dst, num_segments=N)
    h_neigh = summed / jnp.maximum(deg, 1.0)[:, None]
    # rst = fc_self(h_self) + fc_neigh(h_neigh); bias=False
    out = x @ W_self + h_neigh @ W_neigh
    return out

if __name__ == "__main__":
    import jax
    _d = setup_inputs()
    print(jax.jit(kernel)(*tuple(_d.values())))

</pallas_src>

<mosaic_0001>
#map = affine_map<(d0, d1) -> (0)>
#map1 = affine_map<(d0, d1) -> (0, 0)>
module attributes {stable_mosaic.version = 14 : i64} {
  func.func @agg(%arg0: i32, %arg1: i32, %arg2: memref<323584xi32, #tpu.memory_space<hbm>>, %arg3: memref<323584xi32, #tpu.memory_space<hbm>>, %arg4: memref<10000x128xf32, #tpu.memory_space<hbm>>, %arg5: memref<20480x128xf32, #tpu.memory_space<hbm>>, %arg6: memref<32x10240xf32, #tpu.memory_space<hbm>>, %arg7: memref<128xi32, #tpu.memory_space<vmem>>, %arg8: memref<128xi32, #tpu.memory_space<vmem>>, %arg9: memref<128x128xf32, #tpu.memory_space<vmem>>, %arg10: memref<10240xf32, #tpu.memory_space<vmem>>, %arg11: memref<10240x128xf32, #tpu.memory_space<vmem_shared>>, %arg12: memref<!tpu.dma_semaphore, #tpu.memory_space<semaphore_mem>>) attributes {dimension_semantics = [#tpu.dimension_semantics<core_parallel>, #tpu.dimension_semantics<subcore_parallel>], iteration_bounds = array<i64: 2, 16>, scalar_prefetch = 0 : i64, scratch_operands = 6 : i64, tpu.core_type = #tpu.core_type<sc_vector_subcore>, window_params = [{transform_indices = #map}, {transform_indices = #map}, {transform_indices = #map1}, {transform_indices = #map1}, {transform_indices = #map1}]} {
    %mul3A = arith.constant 16 : i32
    %mul3A_0 = arith.muli %arg0, %mul3A : i32
    %add3A = arith.addi %mul3A_0, %arg1 : i32
    %broadcast_in_dim3A = arith.constant 0.000000e+00 : f32
    %broadcast_in_dim3A_1 = vector.broadcast %broadcast_in_dim3A : f32 to vector<16xf32>
    %broadcast_in_dim3A_2 = arith.constant 1.000000e+00 : f32
    %broadcast_in_dim3A_3 = vector.broadcast %broadcast_in_dim3A_2 : f32 to vector<16xf32>
    %scan3A = arith.constant 0 : i32
    %scan3A_4 = arith.constant 0 : i32
    %scan3A_5 = arith.constant 128 : i32
    %scan3A_6 = arith.addi %scan3A_4, %scan3A_5 : i32
    %scan3A_7 = arith.constant 1 : i32
    %scan3A_8 = scf.for %scan3A_39 = %scan3A_4 to %scan3A_6 step %scan3A_7 iter_args(%scan3A_40 = %scan3A) -> (i32)  : i32 {
      %scan3A_41 = arith.constant 0 : i32
      %scan3A_42 = arith.constant 0 : i32
      %scan3A_43 = arith.constant 8 : i32
      %scan3A_44 = arith.addi %scan3A_42, %scan3A_43 : i32
      %scan3A_45 = arith.constant 1 : i32
      %scan3A_46 = scf.for %scan3A_49 = %scan3A_42 to %scan3A_44 step %scan3A_45 iter_args(%scan3A_50 = %scan3A_41) -> (i32)  : i32 {
        %mul3A_51 = arith.constant 16 : i32
        %mul3A_52 = arith.muli %scan3A_49, %mul3A_51 : i32
        %swap3A = arith.index_cast %scan3A_39 : i32 to index
        %swap3A_53 = arith.index_cast %mul3A_52 : i32 to index
        %swap3A_54 = tpu.vector_load %arg9[%swap3A, %swap3A_53] {strides = array<i32>} : memref<128x128xf32, #tpu.memory_space<vmem>>, vector<16xf32>,
        tpu.vector_store %arg9[%swap3A, %swap3A_53], %broadcast_in_dim3A_1 {strides = array<i32>} : memref<128x128xf32, #tpu.memory_space<vmem>>, vector<16xf32>,
        %scan3A_55 = arith.constant 0 : i32
        scf.yield %scan3A_55 : i32
      }
      %scan3A_47 = arith.constant 8 : i32
      %scan3A_48 = arith.constant 0 : i32
      scf.yield %scan3A_48 : i32
    }
    %scan3A_9 = arith.constant 128 : i32
    %scan3A_10 = arith.constant 0 : i32
    %scan3A_11 = arith.constant 0 : i32
    %scan3A_12 = arith.constant 640 : i32
    %scan3A_13 = arith.addi %scan3A_11, %scan3A_12 : i32
    %scan3A_14 = arith.constant 1 : i32
    %scan3A_15 = scf.for %scan3A_39 = %scan3A_11 to %scan3A_13 step %scan3A_14 iter_args(%scan3A_40 = %scan3A_10) -> (i32)  : i32 {
      %mul3A_41 = arith.constant 16 : i32
      %mul3A_42 = arith.muli %scan3A_39, %mul3A_41 : i32
      %swap3A = arith.index_cast %mul3A_42 : i32 to index
      %swap3A_43 = tpu.vector_load %arg10[%swap3A] {strides = array<i32>} : memref<10240xf32, #tpu.memory_space<vmem>>, vector<16xf32>,
      tpu.vector_store %arg10[%swap3A], %broadcast_in_dim3A_1 {strides = array<i32>} : memref<10240xf32, #tpu.memory_space<vmem>>, vector<16xf32>,
      %scan3A_44 = arith.constant 0 : i32
      scf.yield %scan3A_44 : i32
    }
    %scan3A_16 = arith.constant 640 : i32
    %mul3A_17 = arith.constant 640 : i32
    %mul3A_18 = arith.muli %arg1, %mul3A_17 : i32
    %scan3A_19 = arith.constant 0 : i32
    %scan3A_20 = arith.constant 0 : i32
    %scan3A_21 = arith.constant 5 : i32
    %scan3A_22 = arith.addi %scan3A_20, %scan3A_21 : i32
    %scan3A_23 = arith.constant 1 : i32
    %scan3A_24 = scf.for %scan3A_39 = %scan3A_20 to %scan3A_22 step %scan3A_23 iter_args(%scan3A_40 = %scan3A_19) -> (i32)  : i32 {
      %mul3A_41 = arith.constant 128 : i32
      %mul3A_42 = arith.muli %scan3A_39, %mul3A_41 : i32
      %add3A_43 = arith.addi %mul3A_18, %mul3A_42 : i32
      "tpu.region"() ({
        %run_scoped3A = tpu.sem_alloc : memref<!tpu.dma_semaphore, #tpu.memory_space<semaphore_mem>>
        %dma_start3A = arith.constant 0 : i32
        %dma_start3A_45 = tpu.memref_slice %arg11[%add3A_43, %dma_start3A] : memref<10240x128xf32, #tpu.memory_space<vmem_shared>> -> memref<128x128xf32, #tpu.memory_space<vmem_shared>>
        %dma_start3A_46 = arith.constant 0 : i32
        %dma_start3A_47 = tpu.memref_slice %arg11[%add3A_43, %dma_start3A_46] : memref<10240x128xf32, #tpu.memory_space<vmem_shared>> -> memref<128x128xf32, #tpu.memory_space<vmem_shared>>
        tpu.enqueue_dma source(%arg9 : memref<128x128xf32, #tpu.memory_space<vmem>>) target(%dma_start3A_47 : memref<128x128xf32, #tpu.memory_space<vmem_shared>>) target_semaphore(%run_scoped3A : memref<!tpu.dma_semaphore, #tpu.memory_space<semaphore_mem>>)
        %dma_wait3A = arith.constant 0 : i32
        %dma_wait3A_48 = tpu.memref_slice %arg11[%add3A_43, %dma_wait3A] : memref<10240x128xf32, #tpu.memory_space<vmem_shared>> -> memref<128x128xf32, #tpu.memory_space<vmem_shared>>
        %dma_wait3A_49 = arith.constant 0 : i32
        %dma_wait3A_50 = tpu.memref_slice %arg11[%add3A_43, %dma_wait3A_49] : memref<10240x128xf32, #tpu.memory_space<vmem_shared>> -> memref<128x128xf32, #tpu.memory_space<vmem_shared>>
        tpu.wait_dma2 semaphore(%run_scoped3A : memref<!tpu.dma_semaphore, #tpu.memory_space<semaphore_mem>>) src(%arg9 : memref<128x128xf32, #tpu.memory_space<vmem>>) dst(%dma_wait3A_50 : memref<128x128xf32, #tpu.memory_space<vmem_shared>>)
        tpu.yield
      }) : () -> ()
      %scan3A_44 = arith.constant 0 : i32
      scf.yield %scan3A_44 : i32
    }
    %scan3A_25 = arith.constant 5 : i32
    %barrier3A = arith.constant 0 : index
    tpu.barrier barrier_id(%barrier3A)
    %mul3A_26 = arith.constant 10112 : i32
    %mul3A_27 = arith.muli %add3A, %mul3A_26 : i32
    %scan3A_28 = arith.constant 0 : i32
    %scan3A_29 = arith.constant 0 : i32
    %scan3A_30 = arith.constant 79 : i32
    %scan3A_31 = arith.addi %scan3A_29, %scan3A_30 : i32
    %scan3A_32 = arith.constant 1 : i32
    %scan3A_33 = scf.for %scan3A_39 = %scan3A_29 to %scan3A_31 step %scan3A_32 iter_args(%scan3A_40 = %scan3A_28) -> (i32)  : i32 {
      %mul3A_41 = arith.constant 128 : i32
      %mul3A_42 = arith.muli %scan3A_39, %mul3A_41 : i32
      %add3A_43 = arith.addi %mul3A_27, %mul3A_42 : i32
      "tpu.region"() ({
        %run_scoped3A = tpu.sem_alloc : memref<!tpu.dma_semaphore, #tpu.memory_space<semaphore_mem>>
        %dma_start3A_56 = tpu.memref_slice %arg2[%add3A_43] : memref<323584xi32, #tpu.memory_space<hbm>> -> memref<128xi32, #tpu.memory_space<hbm>>
        %dma_start3A_57 = tpu.memref_slice %arg2[%add3A_43] : memref<323584xi32, #tpu.memory_space<hbm>> -> memref<128xi32, #tpu.memory_space<hbm>>
        tpu.enqueue_dma source(%dma_start3A_57 : memref<128xi32, #tpu.memory_space<hbm>>) target(%arg7 : memref<128xi32, #tpu.memory_space<vmem>>) target_semaphore(%run_scoped3A : memref<!tpu.dma_semaphore, #tpu.memory_space<semaphore_mem>>)
        %dma_wait3A_58 = tpu.memref_slice %arg2[%add3A_43] : memref<323584xi32, #tpu.memory_space<hbm>> -> memref<128xi32, #tpu.memory_space<hbm>>
        %dma_wait3A_59 = tpu.memref_slice %arg2[%add3A_43] : memref<323584xi32, #tpu.memory_space<hbm>> -> memref<128xi32, #tpu.memory_space<hbm>>
        tpu.wait_dma2 semaphore(%run_scoped3A : memref<!tpu.dma_semaphore, #tpu.memory_space<semaphore_mem>>) src(%dma_wait3A_59 : memref<128xi32, #tpu.memory_space<hbm>>) dst(%arg7 : memref<128xi32, #tpu.memory_space<vmem>>)
        tpu.yield
      }) : () -> ()
      "tpu.region"() ({
        %run_scoped3A = tpu.sem_alloc : memref<!tpu.dma_semaphore, #tpu.memory_space<semaphore_mem>>
        %dma_start3A_56 = tpu.memref_slice %arg3[%add3A_43] : memref<323584xi32, #tpu.memory_space<hbm>> -> memref<128xi32, #tpu.memory_space<hbm>>
        %dma_start3A_57 = tpu.memref_slice %arg3[%add3A_43] : memref<323584xi32, #tpu.memory_space<hbm>> -> memref<128xi32, #tpu.memory_space<hbm>>
        tpu.enqueue_dma source(%dma_start3A_57 : memref<128xi32, #tpu.memory_space<hbm>>) target(%arg8 : memref<128xi32, #tpu.memory_space<vmem>>) target_semaphore(%run_scoped3A : memref<!tpu.dma_semaphore, #tpu.memory_space<semaphore_mem>>)
        %dma_wait3A_58 = tpu.memref_slice %arg3[%add3A_43] : memref<323584xi32, #tpu.memory_space<hbm>> -> memref<128xi32, #tpu.memory_space<hbm>>
        %dma_wait3A_59 = tpu.memref_slice %arg3[%add3A_43] : memref<323584xi32, #tpu.memory_space<hbm>> -> memref<128xi32, #tpu.memory_space<hbm>>
        tpu.wait_dma2 semaphore(%run_scoped3A : memref<!tpu.dma_semaphore, #tpu.memory_space<semaphore_mem>>) src(%dma_wait3A_59 : memref<128xi32, #tpu.memory_space<hbm>>) dst(%arg8 : memref<128xi32, #tpu.memory_space<vmem>>)
        tpu.yield
      }) : () -> ()
      %dma_start3A = arith.constant 0 : i32
      %dma_start3A_44 = arith.constant 0 : i32
      %dma_start3A_45 = tpu.memref_slice %arg4[%dma_start3A, %dma_start3A_44] : memref<10000x128xf32, #tpu.memory_space<hbm>> -> memref<10000x128xf32, #tpu.memory_space<hbm>>
      tpu.enqueue_indirect_dma source(%dma_start3A_45 : memref<10000x128xf32, #tpu.memory_space<hbm>>) target(%arg9 : memref<128x128xf32, #tpu.memory_space<vmem>>) offsets(%arg7 : memref<128xi32, #tpu.memory_space<vmem>>) semaphore(%arg12 : memref<!tpu.dma_semaphore, #tpu.memory_space<semaphore_mem>>)
      %scan3A_46 = arith.constant 0 : i32
      %scan3A_47 = arith.constant 0 : i32
      %scan3A_48 = arith.constant 8 : i32
      %scan3A_49 = arith.addi %scan3A_47, %scan3A_48 : i32
      %scan3A_50 = arith.constant 1 : i32
      %scan3A_51 = scf.for %scan3A_56 = %scan3A_47 to %scan3A_49 step %scan3A_50 iter_args(%scan3A_57 = %scan3A_46) -> (i32)  : i32 {
        %mul3A_58 = arith.constant 16 : i32
        %mul3A_59 = arith.muli %scan3A_56, %mul3A_58 : i32
        %get3A = arith.index_cast %mul3A_59 : i32 to index
        %get3A_60 = tpu.vector_load %arg8[%get3A] {strides = array<i32>} : memref<128xi32, #tpu.memory_space<vmem>>, vector<16xi32>,
        tpu.vector_store_idx %arg10[%get3A_60], %broadcast_in_dim3A_3 {add = true} : memref<10240xf32, #tpu.memory_space<vmem>>[vector<16xi32>], vector<16xf32>,
        %scan3A_61 = arith.constant 0 : i32
        scf.yield %scan3A_61 : i32
      }
      %scan3A_52 = arith.constant 8 : i32
      %dma_wait3A = arith.constant 0 : i32
      %dma_wait3A_53 = arith.constant 0 : i32
      %dma_wait3A_54 = tpu.memref_slice %arg4[%dma_wait3A, %dma_wait3A_53] : memref<10000x128xf32, #tpu.memory_space<hbm>> -> memref<10000x128xf32, #tpu.memory_space<hbm>>
      tpu.wait_indirect_dma semaphore(%arg12 : memref<!tpu.dma_semaphore, #tpu.memory_space<semaphore_mem>>) src(%dma_wait3A_54 : memref<10000x128xf32, #tpu.memory_space<hbm>>) dst(%arg9 : memref<128x128xf32, #tpu.memory_space<vmem>>)
      "tpu.region"() ({
        %run_scoped3A = tpu.sem_alloc : memref<!tpu.dma_semaphore, #tpu.memory_space<semaphore_mem>>
        %dma_start3A_56 = arith.constant 0 : i32
        %dma_start3A_57 = arith.constant 0 : i32
        %dma_start3A_58 = tpu.memref_slice %arg11[%dma_start3A_56, %dma_start3A_57] : memref<10240x128xf32, #tpu.memory_space<vmem_shared>> -> memref<10240x128xf32, #tpu.memory_space<vmem_shared>>
        tpu.enqueue_indirect_dma source(%arg9 : memref<128x128xf32, #tpu.memory_space<vmem>>) target(%dma_start3A_58 : memref<10240x128xf32, #tpu.memory_space<vmem_shared>>) offsets(%arg8 : memref<128xi32, #tpu.memory_space<vmem>>) semaphore(%run_scoped3A : memref<!tpu.dma_semaphore, #tpu.memory_space<semaphore_mem>>) {add = true}
        %dma_wait3A_59 = arith.constant 0 : i32
        %dma_wait3A_60 = arith.constant 0 : i32
        %dma_wait3A_61 = tpu.memref_slice %arg11[%dma_wait3A_59, %dma_wait3A_60] : memref<10240x128xf32, #tpu.memory_space<vmem_shared>> -> memref<10240x128xf32, #tpu.memory_space<vmem_shared>>
        tpu.wait_indirect_dma semaphore(%run_scoped3A : memref<!tpu.dma_semaphore, #tpu.memory_space<semaphore_mem>>) src(%arg9 : memref<128x128xf32, #tpu.memory_space<vmem>>) dst(%dma_wait3A_61 : memref<10240x128xf32, #tpu.memory_space<vmem_shared>>)
        tpu.yield
      }) : () -> ()
      %scan3A_55 = arith.constant 0 : i32
      scf.yield %scan3A_55 : i32
    }
    %scan3A_34 = arith.constant 79 : i32
    %barrier3A_35 = arith.constant 0 : index
    tpu.barrier barrier_id(%barrier3A_35)
    %mul3A_36 = arith.constant 10240 : i32
    %mul3A_37 = arith.muli %arg0, %mul3A_36 : i32
    %add3A_38 = arith.addi %mul3A_37, %mul3A_18 : i32
    "tpu.region"() ({
      %run_scoped3A = tpu.sem_alloc : memref<!tpu.dma_semaphore, #tpu.memory_space<semaphore_mem>>
      %dma_start3A = arith.constant 0 : i32
      %dma_start3A_39 = tpu.memref_slice %arg5[%add3A_38, %dma_start3A] : memref<20480x128xf32, #tpu.memory_space<hbm>> -> memref<640x128xf32, #tpu.memory_space<hbm>>
      %dma_start3A_40 = arith.constant 0 : i32
      %dma_start3A_41 = tpu.memref_slice %arg11[%mul3A_18, %dma_start3A_40] : memref<10240x128xf32, #tpu.memory_space<vmem_shared>> -> memref<640x128xf32, #tpu.memory_space<vmem_shared>>
      tpu.enqueue_dma source(%dma_start3A_41 : memref<640x128xf32, #tpu.memory_space<vmem_shared>>) target(%dma_start3A_39 : memref<640x128xf32, #tpu.memory_space<hbm>>) target_semaphore(%run_scoped3A : memref<!tpu.dma_semaphore, #tpu.memory_space<semaphore_mem>>)
      %dma_wait3A = arith.constant 0 : i32
      %dma_wait3A_42 = tpu.memref_slice %arg5[%add3A_38, %dma_wait3A] : memref<20480x128xf32, #tpu.memory_space<hbm>> -> memref<640x128xf32, #tpu.memory_space<hbm>>
      %dma_wait3A_43 = arith.constant 0 : i32
      %dma_wait3A_44 = tpu.memref_slice %arg11[%mul3A_18, %dma_wait3A_43] : memref<10240x128xf32, #tpu.memory_space<vmem_shared>> -> memref<640x128xf32, #tpu.memory_space<vmem_shared>>
      tpu.wait_dma2 semaphore(%run_scoped3A : memref<!tpu.dma_semaphore, #tpu.memory_space<semaphore_mem>>) src(%dma_wait3A_44 : memref<640x128xf32, #tpu.memory_space<vmem_shared>>) dst(%dma_wait3A_42 : memref<640x128xf32, #tpu.memory_space<hbm>>)
      tpu.yield
    }) : () -> ()
    "tpu.region"() ({
      %run_scoped3A = tpu.sem_alloc : memref<!tpu.dma_semaphore, #tpu.memory_space<semaphore_mem>>
      %dma_start3A = arith.constant 0 : i32
      %dma_start3A_39 = tpu.memref_slice %arg6[%add3A, %dma_start3A] : memref<32x10240xf32, #tpu.memory_space<hbm>> -> memref<1x10240xf32, #tpu.memory_space<hbm>>
      %dma_start3A_40 = tpu.memref_squeeze %dma_start3A_39 : memref<1x10240xf32, #tpu.memory_space<hbm>> -> memref<10240xf32, #tpu.memory_space<hbm>>
      %dma_start3A_41 = arith.constant 0 : i32
      %dma_start3A_42 = tpu.memref_slice %arg6[%add3A, %dma_start3A_41] : memref<32x10240xf32, #tpu.memory_space<hbm>> -> memref<1x10240xf32, #tpu.memory_space<hbm>>
      %dma_start3A_43 = tpu.memref_squeeze %dma_start3A_42 : memref<1x10240xf32, #tpu.memory_space<hbm>> -> memref<10240xf32, #tpu.memory_space<hbm>>
      tpu.enqueue_dma source(%arg10 : memref<10240xf32, #tpu.memory_space<vmem>>) target(%dma_start3A_43 : memref<10240xf32, #tpu.memory_space<hbm>>) target_semaphore(%run_scoped3A : memref<!tpu.dma_semaphore, #tpu.memory_space<semaphore_mem>>)
      %dma_wait3A = arith.constant 0 : i32
      %dma_wait3A_44 = tpu.memref_slice %arg6[%add3A, %dma_wait3A] : memref<32x10240xf32, #tpu.memory_space<hbm>> -> memref<1x10240xf32, #tpu.memory_space<hbm>>
      %dma_wait3A_45 = tpu.memref_squeeze %dma_wait3A_44 : memref<1x10240xf32, #tpu.memory_space<hbm>> -> memref<10240xf32, #tpu.memory_space<hbm>>
      %dma_wait3A_46 = arith.constant 0 : i32
      %dma_wait3A_47 = tpu.memref_slice %arg6[%add3A, %dma_wait3A_46] : memref<32x10240xf32, #tpu.memory_space<hbm>> -> memref<1x10240xf32, #tpu.memory_space<hbm>>
      %dma_wait3A_48 = tpu.memref_squeeze %dma_wait3A_47 : memref<1x10240xf32, #tpu.memory_space<hbm>> -> memref<10240xf32, #tpu.memory_space<hbm>>
      tpu.wait_dma2 semaphore(%run_scoped3A : memref<!tpu.dma_semaphore, #tpu.memory_space<semaphore_mem>>) src(%arg10 : memref<10240xf32, #tpu.memory_space<vmem>>) dst(%dma_wait3A_48 : memref<10240xf32, #tpu.memory_space<hbm>>)
      tpu.yield
    }) : () -> ()
    return
  }
}

module attributes {stable_mosaic.version = 14 : i64} {
  func.func @body(%arg0: i32, %arg1: memref<1024x128xf32, #tpu.memory_space<vmem>>, %arg2: memref<128x128xf32, #tpu.memory_space<vmem>>, %arg3: memref<1024x128xf32, #tpu.memory_space<vmem>>) attributes {dimension_semantics = [#tpu.dimension_semantics<arbitrary>], iteration_bounds = array<i64: 10>, scalar_prefetch = 0 : i64, scratch_operands = 0 : i64, tpu.core_type = #tpu.core_type<tc>, window_params = [{transform_indices = @transform_0, window_bounds = array<i64: 1024, 128>}, {pipeline_mode = #tpu.pipeline_mode<synchronous>, transform_indices = @transform_1, window_bounds = array<i64: 128, 128>}, {transform_indices = @transform_2, window_bounds = array<i64: 1024, 128>}]} {
    %get3A = arith.constant 0 : index
    %get3A_0 = arith.constant 0 : index
    %get3A_1 = vector.load %arg1[%get3A, %get3A_0] : memref<1024x128xf32, #tpu.memory_space<vmem>>, vector<1024x128xf32>
    %get3A_2 = arith.constant 0 : index
    %get3A_3 = arith.constant 0 : index
    %get3A_4 = vector.load %arg2[%get3A_2, %get3A_3] : memref<128x128xf32, #tpu.memory_space<vmem>>, vector<128x128xf32>
    %dot_general3A = arith.constant dense<0.000000e+00> : vector<1024x128xf32>
    %dot_general3A_5 = tpu.matmul %get3A_1, %get3A_4, %dot_general3A {dimension_numbers = #tpu.dot_dimension_numbers<[1], [0], [0], [1], [0, 0, 1, 1], [], []>, transpose_lhs_hint = false} : vector<1024x128xf32>, vector<128x128xf32>, vector<1024x128xf32> -> vector<1024x128xf32>
    %swap3A = arith.constant 0 : index
    %swap3A_6 = arith.constant 0 : index
    %swap3A_7 = vector.load %arg3[%swap3A, %swap3A_6] : memref<1024x128xf32, #tpu.memory_space<vmem>>, vector<1024x128xf32>
    tpu.vector_store %arg3[%swap3A, %swap3A_6], %dot_general3A_5 {strides = array<i32>} : memref<1024x128xf32, #tpu.memory_space<vmem>>, vector<1024x128xf32>,
    return
  }
  func.func @transform_0(%arg0: i32) -> (i32, i32) {
    %c0_i32 = arith.constant 0 : i32
    %c0_i32_0 = arith.constant 0 : i32
    return %arg0, %c0_i32 : i32, i32
  }
  func.func @transform_1(%arg0: i32) -> (i32, i32) {
    %c0_i32 = arith.constant 0 : i32
    %c0_i32_0 = arith.constant 0 : i32
    %c0_i32_1 = arith.constant 0 : i32
    return %c0_i32, %c0_i32_0 : i32, i32
  }
  func.func @transform_2(%arg0: i32) -> (i32, i32) {
    %c0_i32 = arith.constant 0 : i32
    %c0_i32_0 = arith.constant 0 : i32
    return %arg0, %c0_i32 : i32, i32
  }
}

module attributes {stable_mosaic.version = 14 : i64} {
  func.func @body(%arg0: i32, %arg1: memref<1024x128xf32, #tpu.memory_space<vmem>>, %arg2: memref<1024x128xf32, #tpu.memory_space<vmem>>, %arg3: memref<1024x128xf32, #tpu.memory_space<vmem>>, %arg4: memref<32x1024xf32, #tpu.memory_space<vmem>>, %arg5: memref<128x128xf32, #tpu.memory_space<vmem>>, %arg6: memref<1024x128xf32, #tpu.memory_space<vmem>>) attributes {dimension_semantics = [#tpu.dimension_semantics<arbitrary>], iteration_bounds = array<i64: 10>, scalar_prefetch = 0 : i64, scratch_operands = 0 : i64, tpu.core_type = #tpu.core_type<tc>, window_params = [{transform_indices = @transform_0, window_bounds = array<i64: 1024, 128>}, {transform_indices = @transform_1, window_bounds = array<i64: 1024, 128>}, {transform_indices = @transform_2, window_bounds = array<i64: 1024, 128>}, {transform_indices = @transform_3, window_bounds = array<i64: 32, 1024>}, {pipeline_mode = #tpu.pipeline_mode<synchronous>, transform_indices = @transform_4, window_bounds = array<i64: 128, 128>}, {transform_indices = @transform_5, window_bounds = array<i64: 1024, 128>}]} {
    %get3A = arith.constant 0 : index
    %get3A_0 = arith.constant 0 : index
    %get3A_1 = vector.load %arg4[%get3A, %get3A_0] : memref<32x1024xf32, #tpu.memory_space<vmem>>, vector<32x1024xf32>
    %reduce_sum3A = arith.constant dense<0.000000e+00> : vector<1024xf32>
    %reduce_sum3A_2 = vector.multi_reduction <add>, %get3A_1, %reduce_sum3A [0] : vector<32x1024xf32> to vector<1024xf32>
    %broadcast_in_dim3A = vector.shape_cast %reduce_sum3A_2 : vector<1024xf32> to vector<1024x1xf32>
    %get3A_3 = arith.constant 0 : index
    %get3A_4 = arith.constant 0 : index
    %get3A_5 = vector.load %arg2[%get3A_3, %get3A_4] : memref<1024x128xf32, #tpu.memory_space<vmem>>, vector<1024x128xf32>
    %get3A_6 = arith.constant 0 : index
    %get3A_7 = arith.constant 0 : index
    %get3A_8 = vector.load %arg3[%get3A_6, %get3A_7] : memref<1024x128xf32, #tpu.memory_space<vmem>>, vector<1024x128xf32>
    %add3A = arith.addf %get3A_5, %get3A_8 : vector<1024x128xf32>
    %max3A = arith.constant 1.000000e+00 : f32
    %max3A_9 = vector.broadcast %max3A : f32 to vector<1024x1xf32>
    %max3A_10 = arith.maximumf %broadcast_in_dim3A, %max3A_9 : vector<1024x1xf32>
    %div3A = vector.broadcast %max3A_10 : vector<1024x1xf32> to vector<1024x128xf32>
    %div3A_11 = arith.divf %add3A, %div3A : vector<1024x128xf32>
    %get3A_12 = arith.constant 0 : index
    %get3A_13 = arith.constant 0 : index
    %get3A_14 = vector.load %arg1[%get3A_12, %get3A_13] : memref<1024x128xf32, #tpu.memory_space<vmem>>, vector<1024x128xf32>
    %get3A_15 = arith.constant 0 : index
    %get3A_16 = arith.constant 0 : index
    %get3A_17 = vector.load %arg5[%get3A_15, %get3A_16] : memref<128x128xf32, #tpu.memory_space<vmem>>, vector<128x128xf32>
    %dot_general3A = arith.constant dense<0.000000e+00> : vector<1024x128xf32>
    %dot_general3A_18 = tpu.matmul %div3A_11, %get3A_17, %dot_general3A {dimension_numbers = #tpu.dot_dimension_numbers<[1], [0], [0], [1], [0, 0, 1, 1], [], []>, transpose_lhs_hint = false} : vector<1024x128xf32>, vector<128x128xf32>, vector<1024x128xf32> -> vector<1024x128xf32>
    %add3A_19 = arith.addf %get3A_14, %dot_general3A_18 : vector<1024x128xf32>
    %swap3A = arith.constant 0 : index
    %swap3A_20 = arith.constant 0 : index
    %swap3A_21 = vector.load %arg6[%swap3A, %swap3A_20] : memref<1024x128xf32, #tpu.memory_space<vmem>>, vector<1024x128xf32>
    tpu.vector_store %arg6[%swap3A, %swap3A_20], %add3A_19 {strides = array<i32>} : memref<1024x128xf32, #tpu.memory_space<vmem>>, vector<1024x128xf32>,
    return
  }
  func.func @transform_0(%arg0: i32) -> (i32, i32) {
    %c0_i32 = arith.constant 0 : i32
    %c0_i32_0 = arith.constant 0 : i32
    return %arg0, %c0_i32 : i32, i32
  }
  func.func @transform_1(%arg0: i32) -> (i32, i32) {
    %c0_i32 = arith.constant 0 : i32
    %c0_i32_0 = arith.constant 0 : i32
    return %arg0, %c0_i32 : i32, i32
  }
  func.func @transform_2(%arg0: i32) -> (i32, i32) {
    %add3A = arith.constant 10 : i32
    %add3A_0 = arith.addi %arg0, %add3A : i32
    %c0_i32 = arith.constant 0 : i32
    %c0_i32_1 = arith.constant 0 : i32
    return %add3A_0, %c0_i32 : i32, i32
  }
  func.func @transform_3(%arg0: i32) -> (i32, i32) {
    %c0_i32 = arith.constant 0 : i32
    %c0_i32_0 = arith.constant 0 : i32
    return %c0_i32, %arg0 : i32, i32
  }
  func.func @transform_4(%arg0: i32) -> (i32, i32) {
    %c0_i32 = arith.constant 0 : i32
    %c0_i32_0 = arith.constant 0 : i32
    %c0_i32_1 = arith.constant 0 : i32
    return %c0_i32, %c0_i32_0 : i32, i32
  }
  func.func @transform_5(%arg0: i32) -> (i32, i32) {
    %c0_i32 = arith.constant 0 : i32
    %c0_i32_0 = arith.constant 0 : i32
    return %arg0, %c0_i32 : i32, i32
  }
}

</mosaic_0001>

<sc_bundles>
// kernel: kernel.5.cloned.1.call-start
scs
__scs_entry_jumppad:
0x0: {  	(pc) =	sbr.rel $0x88, $3  }
0x1: {  	(tag) =	ssettag $0x0;
	lr =	simm.s32 $0x1  }
0x2: {  	[smem:$0x3F9D] =	sst lr;
	_ =	strace $0xD0000000  }
0x3: {  	_ = 	snop  }
0x4: {  	_ = 	snop  }
0x5: {  	_ = 	snop  }
0x6: {  	_ = 	snop  }
0x7: {  	_ = 	snop  }
__scs_overlays_trampoline_lowered:
0x8: {  	[smem:$0x3FAC] =	sst s0  }
0x9: {  	[smem:$0x3FAD] =	sst s1  }
0xa: {  	[smem:$0x3FAE] =	sst s2  }
0xb: {  	[smem:$0x3FAF] =	sst s3  }
0xc: {  	[smem:$0x3FB0] =	sst s4  }
0xd: {  	[smem:$0x3FB1] =	sst s5  }
0xe: {  	[smem:$0x3FB2] =	sst s6  }
0xf: {  	[smem:$0x3FB3] =	sst s7  }
0x10: {  	[smem:$0x3FB4] =	sst s8  }
0x11: {  	[smem:$0x3FB5] =	sst s9;
	s0 =	simm.s32 @!p0 $0x0  }
0x12: {  	s1 =	sld [smem:$0x3F9B];
	s0 =	simm.s32 @p0 $0x1  }
0x13: {  	[smem:$0x3FB6] =	sst s0;
	s0 =	simm.s32 @!p1 $0x0  }
0x14: {  	s2 =	sld [smem:$0x3F9A];
	s0 =	simm.s32 @p1 $0x1  }
0x15: {  	[smem:$0x3FB7] =	sst s0;
	s0 =	simm.s32 @!p2 $0x0  }
0x16: {  	s3 =	sld [smem:$0x3FDB];
	s0 =	simm.s32 @p2 $0x1  }
0x17: {  	s4 =	simm.s32 $0x1BF5;
	[smem:$0x3FB9] =	sst s0  }
0x18: {  	s0 =	sld [smem:$0x3F9C];
	_ =	swait.ge [sflag:s4], $0x0  }
0x19: {  	s7 =	sld [smem:$0x3F9D]  }
0x1a: {  	s8 =	sadd.s32 $0xFFFFE003, lr  }
0x1b: {  	s9 =	sadd.s32 $0xFFFFFEF7, lr;
	s5 =	simm.s32 $0xFFFFFFFF;
	p2 =	slt.u32 s8, $0xFFFFF086  }
0x1c: {  	p1 =	slt.u32 s9, $0xF7A;
	s5 =	simm.s32 @!p2 $0x0  }
0x1d: {  	s5 =	simm.s32 @p1 $0x1;
	p0 =	seq.s32 s7, s2  }
0x1e: {  	s7 =	smul.u32 @!p0 $0xF7A, s2;
	p2 =	seq.s32 @!p0 s5, $0x0  }
0x1f: {  	s9 =	smul.u32 $0xF7A, s1;
	s8 =	simm.s32 @!p0 $0x1BF5;
	p2 =	por !p2, p0  }
0x20: {  	[sflag:s8] =	ssyncset.s32 @!p0 $0xFFFFF086;
	s6 =	sadd.s32 @!p0 s3, s7;
	s7 =	simm.s32 @!p0 $0x108  }
0x21: {  	s3 =	sadd.s32 s3, s9;
	s6 =	sadd.s32 @!p0 $0x88, s6;
	s7 =	simm.s32 @p2 $0x1082  }
0x22: {  	[simem:s7], [sflag:s8] =	dma.local @!p0 [hbm:s6], $0xF7A  }
0x23: {  	s9 =	sor.u32 $0xD0000000, s2;
	s6 =	simm.s32 $0x108;
	_ =	swait.ge @!p0 [sflag:s8], $0x0  }
0x24: {  	s3 =	sadd.s32 $0x88, s3;
	s6 =	simm.s32 @!p1 $0x1082;
	[sflag:s4] =	ssyncset.s32 $0xFFFFF086  }
0x25: {  	[simem:s6], [sflag:s4] =	dma.local [hbm:s3], $0xF7A  }
0x26: {  	[smem:$0x3F9D] =	sst s1;
	(tag) =	ssettag s2;
	_ =	strace s9  }
0x27: {  	s1 =	sld [smem:$0x3FAD]  }
0x28: {  	s2 =	sld [smem:$0x3FAE]  }
0x29: {  	s4 =	sld [smem:$0x3FB0]  }
0x2a: {  	p0 =	seq.s32 s5, $0x0;
	s5 =	sld [smem:$0x3FB1]  }
0x2b: {  	s6 =	sld [smem:$0x3FB2]  }
0x2c: {  	s7 =	sld [smem:$0x3FB3]  }
0x2d: {  	s3 =	simm.s32 $0x108;
	s8 =	sld [smem:$0x3FB4]  }
0x2e: {  	s3 =	simm.s32 @!p0 $0x1082;
	s9 =	sld [smem:$0x3FB5]  }
0x2f: {  	lr =	sadd.s32 s0, s3;
	s0 =	sld [smem:$0x3FAC]  }
0x30: {  	s3 =	sld [smem:$0x3FAF]  }
0x31: {  	[smem:$0x3FB8] =	sst s10  }
0x32: {  	s10 =	sld [smem:$0x3FB6];
	_ =	sdelay $0x3  }
0x33: {  	p0 =	seq.s32 s10, $0x1;
	s10 =	sld [smem:$0x3FB8];
	_ =	sdelay $0x3  }
0x34: {  	[smem:$0x3FB8] =	sst s10  }
0x35: {  	s10 =	sld [smem:$0x3FB7];
	_ =	sdelay $0x3  }
0x36: {  	p1 =	seq.s32 s10, $0x1;
	s10 =	sld [smem:$0x3FB8];
	_ =	sdelay $0x3  }
0x37: {  	[smem:$0x3FB8] =	sst s10  }
0x38: {  	s10 =	sld [smem:$0x3FB9]  }
0x39: {  	_ = 	snop;
	(pc) =	sbr.ind lr, $3  }
0x3a: {  	_ = 	snop  }
0x3b: {  	_ = 	snop  }
0x3c: {  	p2 =	seq.s32 s10, $0x1;
	s10 =	sld [smem:$0x3FB8]  }
0x3d: {  	_ =	shalt  }
0x3e: {  	_ =	shalt  }
0x3f: {  	_ =	shalt  }
0x40: {  	_ =	shalt  }
0x41: {  	_ =	shalt  }
0x42: {  	_ =	shalt  }
0x43: {  	_ =	shalt  }
0x44: {  	_ =	shalt  }
0x45: {  	_ =	shalt  }
0x46: {  	_ =	shalt  }
0x47: {  	_ =	shalt  }
0x48: {  	_ =	shalt  }
0x49: {  	_ =	shalt  }
0x4a: {  	_ =	shalt  }
0x4b: {  	_ =	shalt  }
0x4c: {  	_ =	shalt  }
0x4d: {  	_ =	shalt  }
0x4e: {  	_ =	shalt  }
0x4f: {  	_ =	shalt  }
0x50: {  	_ =	shalt  }
0x51: {  	_ =	shalt  }
0x52: {  	_ =	shalt  }
0x53: {  	_ =	shalt  }
0x54: {  	_ =	shalt  }
0x55: {  	_ =	shalt  }
0x56: {  	_ =	shalt  }
0x57: {  	_ =	shalt  }
0x58: {  	_ =	shalt  }
0x59: {  	_ =	shalt  }
0x5a: {  	_ =	shalt  }
0x5b: {  	_ =	shalt  }
0x5c: {  	_ =	shalt  }
0x5d: {  	_ =	shalt  }
0x5e: {  	_ =	shalt  }
0x5f: {  	_ =	shalt  }
0x60: {  	_ =	shalt  }
0x61: {  	_ =	shalt  }
0x62: {  	_ =	shalt  }
0x63: {  	_ =	shalt  }
0x64: {  	_ =	shalt  }
0x65: {  	_ =	shalt  }
0x66: {  	_ =	shalt  }
0x67: {  	_ =	shalt  }
0x68: {  	_ =	shalt  }
0x69: {  	_ =	shalt  }
0x6a: {  	_ =	shalt  }
0x6b: {  	_ =	shalt  }
0x6c: {  	_ =	shalt  }
0x6d: {  	_ =	shalt  }
0x6e: {  	_ =	shalt  }
0x6f: {  	_ =	shalt  }
0x70: {  	_ =	shalt  }
0x71: {  	_ =	shalt  }
0x72: {  	_ =	shalt  }
0x73: {  	_ =	shalt  }
0x74: {  	_ =	shalt  }
0x75: {  	_ =	shalt  }
0x76: {  	_ =	shalt  }
0x77: {  	_ =	shalt  }
0x78: {  	_ =	shalt  }
0x79: {  	_ =	shalt  }
0x7a: {  	_ =	shalt  }
0x7b: {  	_ =	shalt  }
0x7c: {  	_ =	shalt  }
0x7d: {  	_ =	shalt  }
0x7e: {  	_ =	shalt  }
0x7f: {  	_ =	shalt  }
0x80: {  	_ =	shalt  }
0x81: {  	_ =	shalt  }
0x82: {  	_ =	shalt  }
0x83: {  	_ =	shalt  }
0x84: {  	_ =	shalt  }
0x85: {  	_ =	shalt  }
0x86: {  	_ =	shalt  }
0x87: {  	_ =	shalt  }
.Lfunc_end0:
.L_simem_size_0:
called_computation_lowered:
.L_overlay_start_0:
0x88: {  	s2 =	sld [smem:$0x3FD9]  }
0x89: {  	s3 =	sld [smem:$0x3FFE];
	_ =	sdelay $0x1  }
0x8a: {  	s1 =	srdreg.scid  }
0x8b: {  	s0 =	sand.u32 $0x1, s1  }
0x8c: {  	s17 =	sshll.u32 s0, $0xA;
	s2 =	sadd.s32 s3, s2  }
0x8d: {  	s2 =	sadd.s32 s2, s17  }
0x8e: {  	[smem:$0x3FC4] =	sst s2  }
0x8f: {  	_ = 	snop  }
0x90: {  	s2 =	sld [smem:$0x3FC9]  }
0x91: {  	s18 =	sld [smem:$0x3FD0];
	(tm) =	ssettm $0x1  }
0x92: {  	s4 =	sld [smem:$0x3FFB];
	_ =	sdelay $0x3  }
0x93: {  	_ =	strace s4  }
0x94: {  	s4 =	sld [smem:$0x3FFC];
	_ =	sdelay $0x3  }
0x95: {  	_ =	strace s4  }
0x96: {  	s4 =	sld [smem:$0x3FFD];
	_ =	sdelay $0x3  }
0x97: {  	_ =	strace s4  }
0x98: {  	_ =	strace $0x8FFFFFFF  }
0x99: {  	s19 =	sld [smem:$0x3FDB];
	_ =	sdelay $0x1  }
0x9a: {  	s5 =	simm.s32 $_scs_section_size  }
0x9b: {  	s6 =	simm.s32 $_size__tile_overlayer_lowered;
	s7 =	simm.s32 $_tile_overlayer_lowered  }
0x9c: {  	s22 =	simm.s32 $0x1BFF;
	s21 =	sshll.u32 s7, $0x1;
	s4 =	sadd.s32 s5, s19  }
0x9d: {  	s8 =	simm.s32 $0x0;
	s20 =	sshll.u32 s6, $0x1;
	s6 =	sadd.s32 s21, s4  }
0x9e: {  	[timem:s8], [sflag:s22] =	dma.local [hbm:s6], s20  }
0x9f: {  	_ =	swait.ge [sflag:s22], s20  }
0xa0: {  	s5 =	ssub.s32 $0x0, s20;
	[sflag:s22] =	ssyncset.done $0x0  }
0xa1: {  	[sflag:s22] =	ssyncadd.s32 s5;
	_ =	sdelay $0x1  }
0xa2: {  	s23 =	simm.s32 $0x1B8B  }
0xa3: {  	_ =	swait.ge [sflag:s23], $0x1  }
0xa4: {  	[sflag:s23] =	ssyncset.done $0x0  }
0xa5: {  	s25 =	simm.s32 $0x1B8E;
	s24 =	sld [smem:$0x3FFE];
	[sflag:s23] =	ssyncadd.s32 $0xFFFFFFFF  }
0xa6: {  	s26 =	simm.s32 $execute0_lowered;
	[smem:$0x3FD2] =	sst s25  }
0xa7: {  	s6 =	sshll.u32 s26, $0x1;
	_ =	strace $0x80000046;
	[dreg:$0x1] =	wrdreg $0xFFFFFFFF  }
0xa8: {  	s28 =	simm.s32 $_size_execute0_lowered;
	s4 =	sadd.s32 s4, s6;
	[dreg:$0x0] =	wrdreg $0x0  }
0xa9: {  	s6 =	sshll.u32 s28, $0x1;
	[dreg:$0x2] =	wrdreg s4  }
0xaa: {  	[dreg:$0x3] =	wrdreg s6  }
0xab: {  	[dreg:$0x4] =	wrdreg $0xC0  }
0xac: {  	_ =	task [dreg:s8], $0x5FFFF  }
0xad: {  	[dreg:$0x1] =	wrdreg $0xFFFFFFFF  }
0xae: {  	[dreg:$0x0] =	wrdreg $0x60  }
0xaf: {  	[dreg:$0x2] =	wrdreg s24  }
0xb0: {  	[dreg:$0x3] =	wrdreg s2  }
0xb1: {  	[dreg:$0x4] =	wrdreg s18  }
0xb2: {  	[dreg:$0x5] =	wrdreg $0x69000  }
0xb3: {  	[dreg:$0x6] =	wrdreg $0x9  }
0xb4: {  	_ =	task.clear_ibuf [dreg:s8], $0x7FFFF;
	_ =	strace $0x90000046  }
0xb5: {  	s29 =	simm.s32 $0x9;
	_ =	strace $0x80000048  }
0xb6: {  	_ =	swait.ge [sflag:s29], $0x1  }
0xb7: {  	[sflag:s29] =	ssyncadd.s32 $0xFFFFFFFF  }
0xb8: {  	_ =	strace $0x90000048  }
0xb9: {  	_ =	sfence  }
0xba: {  	s30 =	sld [smem:$0x0];
	_ =	sdelay $0x2  }
0xbb: {  	s31 =	sshll.u32 s1, $0xD;
	s1 =	sshrl.u32 s1, $0x2  }
0xbc: {  	s3 =	sand.u32 $0x4000, s31;
	s1 =	sadd.s32 s1, s30  }
0xbd: {  	s0 =	sor.u32 s3, s0;
	s1 =	sshll.u32 s1, $0x11  }
0xbe: {  	s0 =	sor.u32 s1, s0  }
0xbf: {  	s0 =	sadd.s32 $0x8F2B, s0  }
0xc0: {  	[sflag:s0] =	ssyncadd.remote.s32 $0x1  }
0xc1: {  	_ =	sfence.sel $0xFFFF  }
0xc2: {  	[dreg:$0x0] =	wrdreg $0xFFFFFFFF;
	(pc) =	sbr.abs _section_cstart, $3  }
0xc3: {  	[dreg:$0x1] =	wrdreg $0xFFFFFFFF  }
0xc4: {  	_ =	task.clear_ibuf [dreg:s8], $0x2FFFF;
	_ =	strace $0x9FFFFFFF  }
0xc5: {  	(tm) =	ssettm $0x7FFFFFFF  }
tec
execute0_lowered:
.L_overlay_start_1:
0x0: {  	(tag) =	ssettag $0x1  }
0x1: {  	s5 =	rddreg [dreg:$0x0]  }
0x2: {  	s1 =	rddreg [dreg:$0x1]  }
0x3: {  	s7 =	rddreg [dreg:$0x2]  }
0x4: {  	s2 =	rddreg [dreg:$0x3]  }
0x5: {  	s3 =	srdreg.scid;
	s0 =	rddreg [dreg:$0x4];
	s4 =	simm.s32 $0x0  }
0x6: {  	s15 =	simm.s32 $0x100;
	s16 =	simm.s32 $0x2;
	s17 =	simm.s32 $0x80  }
0x7: {  	s18 =	simm.s32 $0x4100;
	s19 =	simm.s32 $0x1;
	s6 =	sand.u32 $0x1, s3  }
0x8: {  	s20 =	simm.s32 $0x400;
	s3 =	stileid.u32;
	s8 =	smul.u32 $0x4F00, s6  }
0x9: {  	s21 =	simm.s32 $0x0;
	[smem:$0x7FF] =	sst s4;
	s9 =	smul.u32 $0x2800, s3  }
0xa: {  	s10 =	sshll.u32 s6, $0x4;
	_ =	strace $0x80000047;
	s11 =	smul.u32 $0x28000, s6  }
0xb: {  	s24 =	smul.u32 $0x50000, s3;
	s25 =	sshll.u32 s3, $0x7;
	s26 =	ssub.s32 $0x2, s6  }
0xc: {  	s14 =	smul.u32 $0x4F0, s3;
	s10 =	sor.u32 s3, s10;
	s28 =	sand.u32 $0x380, s25  }
0xd: {  	s29 =	sshrl.u32 s26, $0x1;
	s13 =	sadd.s32 s8, s5;
	s10 =	sshrl.u32 s10, $0x3  }
0xe: {  	s9 =	sadd.s32 s9, s11;
	s8 =	sshrl.u32 s24, $0x2;
	s30 =	ssub.s32 s26, s29  }
0xf: {  	s10 =	smul.u32 $0x14000, s10;
	s9 =	sadd.s32 s9, s5;
	s5 =	sadd.s32 s8, s2  }
0x10: {  	s8 =	smax.u32 s30, $0x1;
	s14 =	sadd.s32 s14, s13;
	s11 =	sadd.s32 $0xC000, s5  }
0x11: {  	s12 =	sadd.s32 $0x10000, s5;
	s13 =	sadd.s32 $0x1000, s14;
	s6 =	sor.u32 s28, s10  }
0x12: {  	s14 =	sadd.s32 $0xAE00, s14;
	s10 =	sadd.s32 $0x8000, s5;
	s31 =	sshrl.u32 s6, $0x3  }
0x13: {  	v0 =	vimm.f32 $0.0e+00;
	v1 =	vimm.f32 $1.000000000e+00;
	s6 =	sadd.s32 $0x14C00, s9;
	s9 =	sadd.s32 $0x4000, s5;
	s7 =	sadd.s32 s7, s31  }
.LBB2_1:
0x14: {  	s22 =	simm.s32 $0x0;
	s23 =	simm.s32 $0x200  }
.LBB2_2:
0x15: {  	p0 =	sne.s32 s23, $0xFE00;
	[tilespmem:s22+$0x170] =	vst v0  }
0x16: {  	[tilespmem:s22+$0x100] =	vst v0  }
0x17: {  	[tilespmem:s22+$0x110] =	vst v0  }
.Ltmp0:
0x18: {  	[tilespmem:s22+$0x120] =	vst v0;
	(pc) =	sbr.rel @p0 .LBB2_2-.Ltmp0, $4  }
0x19: {  	[tilespmem:s22+$0x130] =	vst v0  }
0x1a: {  	[tilespmem:s22+$0x140] =	vst v0  }
0x1b: {  	[tilespmem:s22+$0x150] =	vst v0  }
0x1c: {  	[tilespmem:s22+$0x160] =	vst v0;
	s22 =	sshra.s32 s23, $0x2;
	s23 =	sadd.s32 $0x200, s23  }
0x1d: {  	[tilespmem:s22+$0x170] =	vst v0  }
0x1e: {  	[tilespmem:s22+$0x100] =	vst v0  }
0x1f: {  	[tilespmem:s22+$0x110] =	vst v0  }
0x20: {  	[tilespmem:s22+$0x120] =	vst v0  }
0x21: {  	[tilespmem:s22+$0x130] =	vst v0  }
0x22: {  	[tilespmem:s22+$0x140] =	vst v0  }
0x23: {  	[tilespmem:s22+$0x150] =	vst v0  }
0x24: {  	[tilespmem:s22+$0x160] =	vst v0;
	s22 =	simm.s32 $0x40;
	s23 =	simm.s32 $0x0  }
.LBB2_4:
0x25: {  	p0 =	sne.s32 s22, $0x9FC0;
	[tilespmem:s23+$0x4100] =	vst v0;
	s23 =	smov.u32 s22;
	s22 =	sadd.s32 $0x40, s22  }
.Ltmp1:
0x26: {  	(pc) =	sbr.rel @p0 .LBB2_4-.Ltmp1, $2  }
0x27: {  	_ =	sdelay $0x2  }
0x28: {  	s23 =	sshra.s32 s23, $0x2  }
0x29: {  	[tilespmem:s23+$0x4100] =	vst v0  }
0x2a: {  	[spmem:s5] =	stream.linear.scatter [tilespmem:s15], [sflag:$0x2], $0x4000, $0x38;
	[tilespmem:$0x1A900] =	vst v63  }
0x2b: {  	_ =	swait.ge [sflag:s16], $0x4000  }
0x2c: {  	[sflag:s16] =	ssyncset.done $0x0  }
0x2d: {  	[sflag:s16] =	ssyncadd.s32 $0xFFFFC000  }
0x2e: {  	[spmem:s9] =	stream.linear.scatter [tilespmem:s15], [sflag:$0x2], $0x4000, $0x38;
	[tilespmem:$0x1A900] =	vst v63  }
0x2f: {  	_ =	swait.ge [sflag:s16], $0x4000  }
0x30: {  	[sflag:s16] =	ssyncset.done $0x0  }
0x31: {  	[sflag:s16] =	ssyncadd.s32 $0xFFFFC000  }
0x32: {  	[spmem:s10] =	stream.linear.scatter [tilespmem:s15], [sflag:$0x2], $0x4000, $0x38;
	[tilespmem:$0x1A900] =	vst v63  }
0x33: {  	_ =	swait.ge [sflag:s16], $0x4000  }
0x34: {  	[sflag:s16] =	ssyncset.done $0x0  }
0x35: {  	[sflag:s16] =	ssyncadd.s32 $0xFFFFC000  }
0x36: {  	[spmem:s11] =	stream.linear.scatter [tilespmem:s15], [sflag:$0x2], $0x4000, $0x38;
	[tilespmem:$0x1A900] =	vst v63  }
0x37: {  	_ =	swait.ge [sflag:s16], $0x4000  }
0x38: {  	[sflag:s16] =	ssyncset.done $0x0  }
0x39: {  	[sflag:s16] =	ssyncadd.s32 $0xFFFFC000  }
0x3a: {  	[spmem:s12] =	stream.linear.scatter [tilespmem:s15], [sflag:$0x2], $0x4000, $0x38;
	[tilespmem:$0x1A900] =	vst v63  }
0x3b: {  	_ =	swait.ge [sflag:s16], $0x4000  }
0x3c: {  	[sflag:s16] =	ssyncset.done $0x0  }
0x3d: {  	[sflag:s16] =	ssyncadd.s32 $0xFFFFC000  }
0x3e: {  	s22 =	simm.s32 $0x0;
	[bflag:$0x0] =	sbarrier.arrive $0xFFFF  }
.LBB2_6:
0x3f: {  	s23 =	sadd.s32 s22, s14  }
0x40: {  	[tilespmem:s4], [sflag:$0x2] =	stream.linear.gather [hbm4b:s23+s4], $0x80, $0x38;
	[tilespmem:$0x1A900] =	vst v63  }
0x41: {  	_ =	swait.ge [sflag:s16], $0x80  }
0x42: {  	[sflag:s16] =	ssyncset.done $0x0  }
0x43: {  	s31 =	sadd.s32 s22, s13;
	[sflag:s16] =	ssyncadd.s32 $0xFFFFFF80  }
0x44: {  	[tilespmem:s17], [sflag:$0x2] =	stream.linear.gather [hbm4b:s31+s4], $0x80, $0x38;
	[tilespmem:$0x1A900] =	vst v63  }
0x45: {  	_ =	swait.ge [sflag:s16], $0x80  }
0x46: {  	[sflag:s16] =	ssyncset.done $0x0  }
0x47: {  	[sflag:s16] =	ssyncadd.s32 $0xFFFFFF80  }
0x48: {  	[tilespmem:s15], [sflag:$0x1] =	stream.indirect.gather [hbm4b:s1+s17], $0x80, s4, s17, $0xb8;
	[tilespmem:$0x1A900] =	vst v63  }
0x49: {  	v2 =	vld [tilespmem:$0x80];
	_ =	sdelay $0x7  }
0x4a: {  	[tilespmem:v2+s18+$0x0] =	vst.idx.add.f32.msk $0xffff, v1  }
0x4b: {  	v2 =	vld [tilespmem:$0x90];
	_ =	sdelay $0x7  }
0x4c: {  	[tilespmem:v2+s18+$0x0] =	vst.idx.add.f32.msk $0xffff, v1  }
0x4d: {  	v2 =	vld [tilespmem:$0xA0];
	_ =	sdelay $0x7  }
0x4e: {  	[tilespmem:v2+s18+$0x0] =	vst.idx.add.f32.msk $0xffff, v1  }
0x4f: {  	v2 =	vld [tilespmem:$0xB0];
	_ =	sdelay $0x7  }
0x50: {  	[tilespmem:v2+s18+$0x0] =	vst.idx.add.f32.msk $0xffff, v1  }
0x51: {  	v2 =	vld [tilespmem:$0xC0];
	_ =	sdelay $0x7  }
0x52: {  	[tilespmem:v2+s18+$0x0] =	vst.idx.add.f32.msk $0xffff, v1  }
0x53: {  	v2 =	vld [tilespmem:$0xD0];
	_ =	sdelay $0x7  }
0x54: {  	[tilespmem:v2+s18+$0x0] =	vst.idx.add.f32.msk $0xffff, v1  }
0x55: {  	v2 =	vld [tilespmem:$0xE0];
	_ =	sdelay $0x7  }
0x56: {  	[tilespmem:v2+s18+$0x0] =	vst.idx.add.f32.msk $0xffff, v1  }
0x57: {  	v2 =	vld [tilespmem:$0xF0];
	_ =	sdelay $0x7  }
0x58: {  	[tilespmem:v2+s18+$0x0] =	vst.idx.add.f32.msk $0xffff, v1  }
0x59: {  	_ =	swait.ge [sflag:s19], $0x4000  }
0x5a: {  	p0 =	sne.s32 s22, $0x4E0;
	[sflag:s19] =	ssyncset.done $0x0  }
.Ltmp2:
0x5b: {  	[sflag:s19] =	ssyncadd.s32 $0xFFFFC000;
	(pc) =	sbr.rel @p0 .LBB2_6-.Ltmp2, $4  }
0x5c: {  	[spmem:s2] =	stream.indirect.scatter.add.f32 [tilespmem:s15], [sflag:$0x2], $0x80, s17, s17, $0xb8;
	[tilespmem:$0x1A900] =	vst v63  }
0x5d: {  	_ =	swait.ge [sflag:s16], $0x4000  }
0x5e: {  	[sflag:s16] =	ssyncset.done $0x0  }
0x5f: {  	s22 =	sadd.s32 $0x10, s22;
	[sflag:s16] =	ssyncadd.s32 $0xFFFFC000  }
0x60: {  	s22 =	sshll.u32 s3, $0x6  }
0x61: {  	[bflag:$0x0] =	sbarrier.arrive $0xFFFF;
	s23 =	sshrl.u32 s5, $0x3;
	s22 =	sor.u32 $0x1C02, s22  }
0x62: {  	[hbm:s6], [sflag:s22] =	dma.local [spmem:s23], $0x2800  }
0x63: {  	s21 =	sadd.s32 $0x1, s21;
	_ =	swait.ge [sflag:s16], $0x2800  }
0x64: {  	p0 =	sne.s32 s21, s8;
	[sflag:s16] =	ssyncset.done $0x0  }
.Ltmp3:
0x65: {  	[sflag:s16] =	ssyncadd.s32 $0xFFFFD800;
	(pc) =	sbr.rel @p0 .LBB2_1-.Ltmp3, $4  }
0x66: {  	[hbm4b:s7+s17] =	stream.strided.scatter [tilespmem:s18], [sflag:$0x2], $0x2800, s20, s17, $0x38;
	[tilespmem:$0x1A900] =	vst v63  }
0x67: {  	_ =	swait.ge [sflag:s16], $0x2800  }
0x68: {  	[sflag:s16] =	ssyncset.done $0x0  }
0x69: {  	[sflag:s16] =	ssyncadd.s32 $0xFFFFD800  }
0x6a: {  	_ =	sfence.sel $0x180000  }
0x6b: {  	[bflag:$0x0] =	sbarrier.arrive $0xFFFF  }
0x6c: {  	p0 =	sne.s32 s3, $0x0;
	_ =	strace $0x90000047  }
0x6d: {  	s0 =	sadd.s32 @!p0 $0x100000, s0;
	[bflag:$0x2] =	sbarrier.arrive $0xFFFF  }
0x6e: {  	[sflag:s0] =	ssyncadd.tile.s32 @!p0 $0x1;
	_ =	shalt  }
.Lfunc_end2:
_tile_overlayer_lowered:
.L_overlay_start_2:
0x6f: {  	(tag) =	ssettag $0x2  }
0x70: {  	s0 =	rddreg [dreg:$0x0];
	s2 =	stileid.u32  }
0x71: {  	s1 =	rddreg [dreg:$0x1];
	p0 =	sne.s32 s2, $0x0  }
0x72: {  	s3 =	rddreg [dreg:$0x2];
	[bflag:$0x3] =	sbarrier.arrive $0xFFFF;
	s2 =	simm.s32 @!p0 $0x1C02  }
0x73: {  	[timem:s3], [sflag:s2] =	dma.local @!p0 [hbm:s0], s1  }
0x74: {  	s0 =	simm.s32 @!p0 $0x2  }
0x75: {  	_ =	swait.ge @!p0 [sflag:s0], s1  }
0x76: {  	s1 =	ssub.s32 @!p0 $0x0, s1;
	[sflag:s0] =	ssyncset.done @!p0 $0x0  }
0x77: {  	[sflag:s0] =	ssyncadd.s32 @!p0 s1  }
0x78: {  	[bflag:$0x3] =	sbarrier.arrive $0xFFFF  }
0x79: {  	_ =	shalt  }

</sc_bundles>
